<compile_context>
chip_gen: v7x
topology: tpu7x:2x2x1
jax: 0.10.2.dev20260603
libtpu: 0.0.44.dev20260713+nightly
codegen_flags: <defaults>
</compile_context>

<pallas_src>
import functools

import jax
import jax.numpy as jnp
from jax import lax
from jax.experimental import pallas as pl
from jax.experimental.pallas import tpu as pltpu
from jax.experimental.pallas import tpu_sc as plsc

BATCH = 1024
INPUT_SIZE = 256
NEURON_SIZE = 1024
EPS = 1e-6

_NC = 1
_NS = 16
_L = 16
_NW = _NC * _NS
_BPW = BATCH // _NW


def _tc_body(x_ref, w_ref, mean_ref, mdn_ref):
    x = x_ref[...] + EPS
    w = w_ref[...]
    g = jnp.dot(x, w, preferred_element_type=jnp.float32,
                precision=lax.Precision.HIGHEST)
    rn = jnp.sum(x * x, axis=1, keepdims=True)
    cn = jnp.sum(w * w, axis=0, keepdims=True)
    d = jnp.sqrt(rn + cn - 2.0 * g)
    dmin = jnp.min(d, axis=1, keepdims=True)
    mdn = jnp.argmin(d, axis=1)
    mean_ref[...] = jnp.sum(dmin).reshape(1, 1) * (1.0 / BATCH)
    mdn_ref[...] = mdn


_tc_call = pl.pallas_call(
    _tc_body,
    out_shape=(
        jax.ShapeDtypeStruct((1, 1), jnp.float32),
        jax.ShapeDtypeStruct((BATCH,), jnp.int32),
    ),
)


def _sc_body(mdn_hbm, loc_hbm, out_hbm, idx_v, loc_v, out_v):
    wid = lax.axis_index("s") * _NC + lax.axis_index("c")
    base = wid * _BPW
    pltpu.sync_copy(loc_hbm, loc_v)
    pltpu.sync_copy(mdn_hbm.at[pl.ds(base, _BPW)], idx_v)
    lane2 = lax.iota(jnp.int32, 16) * 2
    for i in range(_BPW // _L):
        idx2 = idx_v[pl.ds(i * _L, _L)] * 2
        pos = lane2 + (2 * _L * i)
        plsc.store_scatter(out_v, [pos], plsc.load_gather(loc_v, [idx2]))
        plsc.store_scatter(out_v, [pos + 1], plsc.load_gather(loc_v, [idx2 + 1]))
    pltpu.sync_copy(out_v, out_hbm.at[pl.ds(base * 2, _BPW * 2)])


@functools.cache
def _sc_call():
    return pl.kernel(
        _sc_body,
        out_type=jax.ShapeDtypeStruct((BATCH * 2,), jnp.float32),
        mesh=plsc.VectorSubcoreMesh(core_axis_name="c", subcore_axis_name="s",
                                    num_cores=_NC, num_subcores=_NS),
        compiler_params=pltpu.CompilerParams(needs_layout_passes=False),
        scratch_types=[
            pltpu.VMEM((_BPW,), jnp.int32),
            pltpu.VMEM((NEURON_SIZE * 2,), jnp.float32),
            pltpu.VMEM((_BPW * 2,), jnp.float32),
        ],
    )


def kernel(input, weight, location):
    mean_loss, mdn = _tc_call(input, weight)
    flat = _sc_call()(mdn, location.reshape(NEURON_SIZE * 2))
    mdn_location = flat.reshape(BATCH, 1, 2)
    return jnp.reshape(mean_loss, ()), mdn_location

# --- scband reference (transcript-rebuilt; emitter-appended) ---
"""Pipeline reference for scband-som-5634997092932 (READ-ONLY COPY).

The authoritative reference and input builder live on the scoring server;
editing this copy changes nothing except your own understanding.
"""

import jax, jax.numpy as jnp
import numpy as np

INPUT_SIZE = 256
NEURON_SIZE = 1024
BATCH = 1024
EPS = 1e-6


def _gen_location(neuron_size):
    g = int(pow(neuron_size, 0.5))
    return np.array([(x, y) for x in range(g) for y in range(g)], dtype=np.float32)


def setup_inputs(seed: int = 0) -> dict:
    key = jax.random.key(seed)
    k1, k2 = jax.random.split(key)
    inp = jax.random.normal(k1, (BATCH, INPUT_SIZE), dtype=jnp.float32)
    # learned (frozen) parameters sized per init_kwargs
    weight = jax.random.normal(k2, (INPUT_SIZE, NEURON_SIZE), dtype=jnp.float32)
    location = jnp.asarray(_gen_location(NEURON_SIZE))  # [NEURON_SIZE, 2]
    return {"input": inp, "weight": weight, "location": location}


def reference(input, weight, location):
    # torch: input.view(B, -1, 1) vs weight [input_size, neuron_size]
    # PairwiseDistance(p=2): L2 norm of (x1 - x2 + eps) over the feature dim
    data_size = input.shape[0]
    diff = input[:, :, None] - weight[None, :, :] + EPS  # [B, input_size, neuron_size]
    distances = jnp.sqrt(jnp.sum(diff * diff, axis=1))   # [B, neuron_size]
    loss = jnp.min(distances, axis=1, keepdims=True)     # [B, 1]
    mdn = jnp.argmin(distances, axis=1, keepdims=True)   # [B, 1]
    mdn_location = location[mdn]                         # [B, 1, 2]
    mean_loss = jnp.sum(loss) / data_size                # scalar (torch returns .item())
    return (mean_loss, mdn_location)

if __name__ == "__main__":
    import jax
    _d = setup_inputs()
    print(jax.jit(kernel)(*tuple(_d.values())))

</pallas_src>

<mosaic_0001>
#map = affine_map<(d0, d1) -> (0)>
module attributes {stable_mosaic.version = 14 : i64} {
  func.func @_sc_body(%arg0: i32, %arg1: i32, %arg2: memref<1024xi32, #tpu.memory_space<hbm>>, %arg3: memref<2048xf32, #tpu.memory_space<hbm>>, %arg4: memref<2048xf32, #tpu.memory_space<hbm>>, %arg5: memref<64xi32, #tpu.memory_space<vmem>>, %arg6: memref<2048xf32, #tpu.memory_space<vmem>>, %arg7: memref<128xf32, #tpu.memory_space<vmem>>) attributes {dimension_semantics = [#tpu.dimension_semantics<core_parallel>, #tpu.dimension_semantics<subcore_parallel>], iteration_bounds = array<i64: 1, 16>, scalar_prefetch = 0 : i64, scratch_operands = 3 : i64, tpu.core_type = #tpu.core_type<sc_vector_subcore>, window_params = [{transform_indices = #map}, {transform_indices = #map}, {transform_indices = #map}]} {
    %mul3A = arith.constant 1 : i32
    %mul3A_0 = arith.muli %arg1, %mul3A : i32
    %add3A = arith.addi %mul3A_0, %arg0 : i32
    %mul3A_1 = arith.constant 64 : i32
    %mul3A_2 = arith.muli %add3A, %mul3A_1 : i32
    "tpu.region"() ({
      %run_scoped3A = tpu.sem_alloc : memref<!tpu.dma_semaphore, #tpu.memory_space<semaphore_mem>>
      tpu.enqueue_dma source(%arg3 : memref<2048xf32, #tpu.memory_space<hbm>>) target(%arg6 : memref<2048xf32, #tpu.memory_space<vmem>>) target_semaphore(%run_scoped3A : memref<!tpu.dma_semaphore, #tpu.memory_space<semaphore_mem>>)
      tpu.wait_dma2 semaphore(%run_scoped3A : memref<!tpu.dma_semaphore, #tpu.memory_space<semaphore_mem>>) src(%arg3 : memref<2048xf32, #tpu.memory_space<hbm>>) dst(%arg6 : memref<2048xf32, #tpu.memory_space<vmem>>)
      tpu.yield
    }) : () -> ()
    "tpu.region"() ({
      %run_scoped3A = tpu.sem_alloc : memref<!tpu.dma_semaphore, #tpu.memory_space<semaphore_mem>>
      %dma_start3A = tpu.memref_slice %arg2[%mul3A_2] : memref<1024xi32, #tpu.memory_space<hbm>> -> memref<64xi32, #tpu.memory_space<hbm>>
      %dma_start3A_70 = tpu.memref_slice %arg2[%mul3A_2] : memref<1024xi32, #tpu.memory_space<hbm>> -> memref<64xi32, #tpu.memory_space<hbm>>
      tpu.enqueue_dma source(%dma_start3A_70 : memref<64xi32, #tpu.memory_space<hbm>>) target(%arg5 : memref<64xi32, #tpu.memory_space<vmem>>) target_semaphore(%run_scoped3A : memref<!tpu.dma_semaphore, #tpu.memory_space<semaphore_mem>>)
      %dma_wait3A = tpu.memref_slice %arg2[%mul3A_2] : memref<1024xi32, #tpu.memory_space<hbm>> -> memref<64xi32, #tpu.memory_space<hbm>>
      %dma_wait3A_71 = tpu.memref_slice %arg2[%mul3A_2] : memref<1024xi32, #tpu.memory_space<hbm>> -> memref<64xi32, #tpu.memory_space<hbm>>
      tpu.wait_dma2 semaphore(%run_scoped3A : memref<!tpu.dma_semaphore, #tpu.memory_space<semaphore_mem>>) src(%dma_wait3A_71 : memref<64xi32, #tpu.memory_space<hbm>>) dst(%arg5 : memref<64xi32, #tpu.memory_space<vmem>>)
      tpu.yield
    }) : () -> ()
    %iota3A = tpu.iota {dimensions = array<i32: 0>} : vector<16xi32>
    %mul3A_3 = arith.constant 2 : i32
    %mul3A_4 = vector.broadcast %mul3A_3 : i32 to vector<16xi32>
    %mul3A_5 = arith.muli %iota3A, %mul3A_4 : vector<16xi32>
    %get3A = arith.constant 0 : index
    %get3A_6 = tpu.vector_load %arg5[%get3A] {strides = array<i32>} : memref<64xi32, #tpu.memory_space<vmem>>, vector<16xi32>,
    %mul3A_7 = arith.constant 2 : i32
    %mul3A_8 = vector.broadcast %mul3A_7 : i32 to vector<16xi32>
    %mul3A_9 = arith.muli %get3A_6, %mul3A_8 : vector<16xi32>
    %add3A_10 = arith.constant 0 : i32
    %add3A_11 = vector.broadcast %add3A_10 : i32 to vector<16xi32>
    %add3A_12 = arith.addi %mul3A_5, %add3A_11 : vector<16xi32>
    %gather3A = tpu.vector_load_idx %arg6[%mul3A_9] : memref<2048xf32, #tpu.memory_space<vmem>>[vector<16xi32>], vector<16xf32>,
    tpu.vector_store_idx %arg7[%add3A_12], %gather3A : memref<128xf32, #tpu.memory_space<vmem>>[vector<16xi32>], vector<16xf32>,
    %add3A_13 = arith.constant 1 : i32
    %add3A_14 = vector.broadcast %add3A_13 : i32 to vector<16xi32>
    %add3A_15 = arith.addi %add3A_12, %add3A_14 : vector<16xi32>
    %add3A_16 = arith.constant 1 : i32
    %add3A_17 = vector.broadcast %add3A_16 : i32 to vector<16xi32>
    %add3A_18 = arith.addi %mul3A_9, %add3A_17 : vector<16xi32>
    %gather3A_19 = tpu.vector_load_idx %arg6[%add3A_18] : memref<2048xf32, #tpu.memory_space<vmem>>[vector<16xi32>], vector<16xf32>,
    tpu.vector_store_idx %arg7[%add3A_15], %gather3A_19 : memref<128xf32, #tpu.memory_space<vmem>>[vector<16xi32>], vector<16xf32>,
    %get3A_20 = arith.constant 16 : index
    %get3A_21 = tpu.vector_load %arg5[%get3A_20] {strides = array<i32>} : memref<64xi32, #tpu.memory_space<vmem>>, vector<16xi32>,
    %mul3A_22 = arith.constant 2 : i32
    %mul3A_23 = vector.broadcast %mul3A_22 : i32 to vector<16xi32>
    %mul3A_24 = arith.muli %get3A_21, %mul3A_23 : vector<16xi32>
    %add3A_25 = arith.constant 32 : i32
    %add3A_26 = vector.broadcast %add3A_25 : i32 to vector<16xi32>
    %add3A_27 = arith.addi %mul3A_5, %add3A_26 : vector<16xi32>
    %gather3A_28 = tpu.vector_load_idx %arg6[%mul3A_24] : memref<2048xf32, #tpu.memory_space<vmem>>[vector<16xi32>], vector<16xf32>,
    tpu.vector_store_idx %arg7[%add3A_27], %gather3A_28 : memref<128xf32, #tpu.memory_space<vmem>>[vector<16xi32>], vector<16xf32>,
    %add3A_29 = arith.constant 1 : i32
    %add3A_30 = vector.broadcast %add3A_29 : i32 to vector<16xi32>
    %add3A_31 = arith.addi %add3A_27, %add3A_30 : vector<16xi32>
    %add3A_32 = arith.constant 1 : i32
    %add3A_33 = vector.broadcast %add3A_32 : i32 to vector<16xi32>
    %add3A_34 = arith.addi %mul3A_24, %add3A_33 : vector<16xi32>
    %gather3A_35 = tpu.vector_load_idx %arg6[%add3A_34] : memref<2048xf32, #tpu.memory_space<vmem>>[vector<16xi32>], vector<16xf32>,
    tpu.vector_store_idx %arg7[%add3A_31], %gather3A_35 : memref<128xf32, #tpu.memory_space<vmem>>[vector<16xi32>], vector<16xf32>,
    %get3A_36 = arith.constant 32 : index
    %get3A_37 = tpu.vector_load %arg5[%get3A_36] {strides = array<i32>} : memref<64xi32, #tpu.memory_space<vmem>>, vector<16xi32>,
    %mul3A_38 = arith.constant 2 : i32
    %mul3A_39 = vector.broadcast %mul3A_38 : i32 to vector<16xi32>
    %mul3A_40 = arith.muli %get3A_37, %mul3A_39 : vector<16xi32>
    %add3A_41 = arith.constant 64 : i32
    %add3A_42 = vector.broadcast %add3A_41 : i32 to vector<16xi32>
    %add3A_43 = arith.addi %mul3A_5, %add3A_42 : vector<16xi32>
    %gather3A_44 = tpu.vector_load_idx %arg6[%mul3A_40] : memref<2048xf32, #tpu.memory_space<vmem>>[vector<16xi32>], vector<16xf32>,
    tpu.vector_store_idx %arg7[%add3A_43], %gather3A_44 : memref<128xf32, #tpu.memory_space<vmem>>[vector<16xi32>], vector<16xf32>,
    %add3A_45 = arith.constant 1 : i32
    %add3A_46 = vector.broadcast %add3A_45 : i32 to vector<16xi32>
    %add3A_47 = arith.addi %add3A_43, %add3A_46 : vector<16xi32>
    %add3A_48 = arith.constant 1 : i32
    %add3A_49 = vector.broadcast %add3A_48 : i32 to vector<16xi32>
    %add3A_50 = arith.addi %mul3A_40, %add3A_49 : vector<16xi32>
    %gather3A_51 = tpu.vector_load_idx %arg6[%add3A_50] : memref<2048xf32, #tpu.memory_space<vmem>>[vector<16xi32>], vector<16xf32>,
    tpu.vector_store_idx %arg7[%add3A_47], %gather3A_51 : memref<128xf32, #tpu.memory_space<vmem>>[vector<16xi32>], vector<16xf32>,
    %get3A_52 = arith.constant 48 : index
    %get3A_53 = tpu.vector_load %arg5[%get3A_52] {strides = array<i32>} : memref<64xi32, #tpu.memory_space<vmem>>, vector<16xi32>,
    %mul3A_54 = arith.constant 2 : i32
    %mul3A_55 = vector.broadcast %mul3A_54 : i32 to vector<16xi32>
    %mul3A_56 = arith.muli %get3A_53, %mul3A_55 : vector<16xi32>
    %add3A_57 = arith.constant 96 : i32
    %add3A_58 = vector.broadcast %add3A_57 : i32 to vector<16xi32>
    %add3A_59 = arith.addi %mul3A_5, %add3A_58 : vector<16xi32>
    %gather3A_60 = tpu.vector_load_idx %arg6[%mul3A_56] : memref<2048xf32, #tpu.memory_space<vmem>>[vector<16xi32>], vector<16xf32>,
    tpu.vector_store_idx %arg7[%add3A_59], %gather3A_60 : memref<128xf32, #tpu.memory_space<vmem>>[vector<16xi32>], vector<16xf32>,
    %add3A_61 = arith.constant 1 : i32
    %add3A_62 = vector.broadcast %add3A_61 : i32 to vector<16xi32>
    %add3A_63 = arith.addi %add3A_59, %add3A_62 : vector<16xi32>
    %add3A_64 = arith.constant 1 : i32
    %add3A_65 = vector.broadcast %add3A_64 : i32 to vector<16xi32>
    %add3A_66 = arith.addi %mul3A_56, %add3A_65 : vector<16xi32>
    %gather3A_67 = tpu.vector_load_idx %arg6[%add3A_66] : memref<2048xf32, #tpu.memory_space<vmem>>[vector<16xi32>], vector<16xf32>,
    tpu.vector_store_idx %arg7[%add3A_63], %gather3A_67 : memref<128xf32, #tpu.memory_space<vmem>>[vector<16xi32>], vector<16xf32>,
    %mul3A_68 = arith.constant 2 : i32
    %mul3A_69 = arith.muli %mul3A_2, %mul3A_68 : i32
    "tpu.region"() ({
      %run_scoped3A = tpu.sem_alloc : memref<!tpu.dma_semaphore, #tpu.memory_space<semaphore_mem>>
      %dma_start3A = tpu.memref_slice %arg4[%mul3A_69] : memref<2048xf32, #tpu.memory_space<hbm>> -> memref<128xf32, #tpu.memory_space<hbm>>
      %dma_start3A_70 = tpu.memref_slice %arg4[%mul3A_69] : memref<2048xf32, #tpu.memory_space<hbm>> -> memref<128xf32, #tpu.memory_space<hbm>>
      tpu.enqueue_dma source(%arg7 : memref<128xf32, #tpu.memory_space<vmem>>) target(%dma_start3A_70 : memref<128xf32, #tpu.memory_space<hbm>>) target_semaphore(%run_scoped3A : memref<!tpu.dma_semaphore, #tpu.memory_space<semaphore_mem>>)
      %dma_wait3A = tpu.memref_slice %arg4[%mul3A_69] : memref<2048xf32, #tpu.memory_space<hbm>> -> memref<128xf32, #tpu.memory_space<hbm>>
      %dma_wait3A_71 = tpu.memref_slice %arg4[%mul3A_69] : memref<2048xf32, #tpu.memory_space<hbm>> -> memref<128xf32, #tpu.memory_space<hbm>>
      tpu.wait_dma2 semaphore(%run_scoped3A : memref<!tpu.dma_semaphore, #tpu.memory_space<semaphore_mem>>) src(%arg7 : memref<128xf32, #tpu.memory_space<vmem>>) dst(%dma_wait3A_71 : memref<128xf32, #tpu.memory_space<hbm>>)
      tpu.yield
    }) : () -> ()
    return
  }
}

module attributes {stable_mosaic.version = 14 : i64} {
  func.func @_tc_body(%arg0: memref<1024x256xf32, #tpu.memory_space<vmem>>, %arg1: memref<256x1024xf32, #tpu.memory_space<vmem>>, %arg2: memref<1x1xf32, #tpu.memory_space<vmem>>, %arg3: memref<1024xi32, #tpu.memory_space<vmem>>) attributes {dimension_semantics = [], scalar_prefetch = 0 : i64, scratch_operands = 0 : i64, tpu.core_type = #tpu.core_type<tc>} {
    %get3A = arith.constant 0 : index
    %get3A_0 = arith.constant 0 : index
    %get3A_1 = vector.load %arg0[%get3A, %get3A_0] : memref<1024x256xf32, #tpu.memory_space<vmem>>, vector<1024x256xf32>
    %add3A = arith.constant 9.99999997E-7 : f32
    %add3A_2 = vector.broadcast %add3A : f32 to vector<1024x256xf32>
    %add3A_3 = arith.addf %get3A_1, %add3A_2 : vector<1024x256xf32>
    %get3A_4 = arith.constant 0 : index
    %get3A_5 = arith.constant 0 : index
    %get3A_6 = vector.load %arg1[%get3A_4, %get3A_5] : memref<256x1024xf32, #tpu.memory_space<vmem>>, vector<256x1024xf32>
    %dot_general3A = arith.constant dense<0.000000e+00> : vector<1024x1024xf32>
    %dot_general3A_7 = tpu.matmul %add3A_3, %get3A_6, %dot_general3A {dimension_numbers = #tpu.dot_dimension_numbers<[1], [0], [0], [1], [0, 0, 1, 1], [], []>, precision = #tpu.contract_precision<fp32>, transpose_lhs_hint = false} : vector<1024x256xf32>, vector<256x1024xf32>, vector<1024x1024xf32> -> vector<1024x1024xf32>
    %mul3A = arith.mulf %add3A_3, %add3A_3 : vector<1024x256xf32>
    %reduce_sum3A = arith.constant dense<0.000000e+00> : vector<1024xf32>
    %reduce_sum3A_8 = vector.multi_reduction <add>, %mul3A, %reduce_sum3A [1] : vector<1024x256xf32> to vector<1024xf32>
    %broadcast_in_dim3A = vector.shape_cast %reduce_sum3A_8 : vector<1024xf32> to vector<1024x1xf32>
    %mul3A_9 = arith.mulf %get3A_6, %get3A_6 : vector<256x1024xf32>
    %reduce_sum3A_10 = arith.constant dense<0.000000e+00> : vector<1024xf32>
    %reduce_sum3A_11 = vector.multi_reduction <add>, %mul3A_9, %reduce_sum3A_10 [0] : vector<256x1024xf32> to vector<1024xf32>
    %broadcast_in_dim3A_12 = vector.shape_cast %reduce_sum3A_11 : vector<1024xf32> to vector<1x1024xf32>
    %add3A_13 = vector.broadcast %broadcast_in_dim3A : vector<1024x1xf32> to vector<1024x1024xf32>
    %add3A_14 = vector.broadcast %broadcast_in_dim3A_12 : vector<1x1024xf32> to vector<1024x1024xf32>
    %add3A_15 = arith.addf %add3A_13, %add3A_14 : vector<1024x1024xf32>
    %mul3A_16 = arith.constant 2.000000e+00 : f32
    %mul3A_17 = vector.broadcast %mul3A_16 : f32 to vector<1024x1024xf32>
    %mul3A_18 = arith.mulf %mul3A_17, %dot_general3A_7 : vector<1024x1024xf32>
    %sub3A = arith.subf %add3A_15, %mul3A_18 : vector<1024x1024xf32>
    %sqrt3A = math.sqrt %sub3A : vector<1024x1024xf32>
    %reduce_min3A = arith.constant dense<0x7F800000> : vector<1024xf32>
    %reduce_min3A_19 = vector.multi_reduction <minimumf>, %sqrt3A, %reduce_min3A [1] : vector<1024x1024xf32> to vector<1024xf32>
    %broadcast_in_dim3A_20 = vector.shape_cast %reduce_min3A_19 : vector<1024xf32> to vector<1024x1xf32>
    %argmin3A = tpu.reduce_index %sqrt3A {axis = 1 : i32, kind = #tpu.reduction_kind<arg_min>} : vector<1024x1024xf32> -> vector<1024xi32>
    %reduce_sum3A_21 = vector.shape_cast %broadcast_in_dim3A_20 : vector<1024x1xf32> to vector<1x1024x1xf32>
    %reduce_sum3A_22 = arith.constant dense<0.000000e+00> : vector<1xf32>
    %reduce_sum3A_23 = vector.multi_reduction <add>, %reduce_sum3A_21, %reduce_sum3A_22 [1, 2] : vector<1x1024x1xf32> to vector<1xf32>
    %reduce_sum3A_24 = vector.shape_cast %reduce_sum3A_23 : vector<1xf32> to vector<1x1x1xf32>
    %reduce_sum3A_25 = vector.extract %reduce_sum3A_24[0, 0, 0] : f32 from vector<1x1x1xf32>
    %reshape3A = vector.broadcast %reduce_sum3A_25 : f32 to vector<1x1xf32>
    %mul3A_26 = arith.constant 9.765625E-4 : f32
    %mul3A_27 = vector.broadcast %mul3A_26 : f32 to vector<1x1xf32>
    %mul3A_28 = arith.mulf %reshape3A, %mul3A_27 : vector<1x1xf32>
    %swap3A = arith.constant 0 : index
    %swap3A_29 = arith.constant 0 : index
    %swap3A_30 = vector.load %arg2[%swap3A, %swap3A_29] : memref<1x1xf32, #tpu.memory_space<vmem>>, vector<1x1xf32>
    tpu.vector_store %arg2[%swap3A, %swap3A_29], %mul3A_28 {strides = array<i32>} : memref<1x1xf32, #tpu.memory_space<vmem>>, vector<1x1xf32>,
    %swap3A_31 = arith.constant 0 : index
    %swap3A_32 = vector.load %arg3[%swap3A_31] : memref<1024xi32, #tpu.memory_space<vmem>>, vector<1024xi32>
    tpu.vector_store %arg3[%swap3A_31], %argmin3A {strides = array<i32>} : memref<1024xi32, #tpu.memory_space<vmem>>, vector<1024xi32>,
    return
  }
}

</mosaic_0001>

<sc_bundles>
// kernel: kernel.4.cloned.1.call-start
scs
__scs_entry_jumppad:
0x0: {  	(pc) =	sbr.rel $0x88, $3  }
0x1: {  	(tag) =	ssettag $0x0;
	lr =	simm.s32 $0x1  }
0x2: {  	[smem:$0x3F9E] =	sst lr;
	_ =	strace $0xD0000000  }
0x3: {  	_ = 	snop  }
0x4: {  	_ = 	snop  }
0x5: {  	_ = 	snop  }
0x6: {  	_ = 	snop  }
0x7: {  	_ = 	snop  }
__scs_overlays_trampoline_lowered:
0x8: {  	[smem:$0x3FAD] =	sst s0  }
0x9: {  	[smem:$0x3FAE] =	sst s1  }
0xa: {  	[smem:$0x3FAF] =	sst s2  }
0xb: {  	[smem:$0x3FB0] =	sst s3  }
0xc: {  	[smem:$0x3FB1] =	sst s4  }
0xd: {  	[smem:$0x3FB2] =	sst s5  }
0xe: {  	[smem:$0x3FB3] =	sst s6  }
0xf: {  	[smem:$0x3FB4] =	sst s7  }
0x10: {  	[smem:$0x3FB5] =	sst s8  }
0x11: {  	[smem:$0x3FB6] =	sst s9;
	s0 =	simm.s32 @!p0 $0x0  }
0x12: {  	s1 =	sld [smem:$0x3F9C];
	s0 =	simm.s32 @p0 $0x1  }
0x13: {  	[smem:$0x3FB7] =	sst s0;
	s0 =	simm.s32 @!p1 $0x0  }
0x14: {  	s2 =	sld [smem:$0x3F9B];
	s0 =	simm.s32 @p1 $0x1  }
0x15: {  	[smem:$0x3FB8] =	sst s0;
	s0 =	simm.s32 @!p2 $0x0  }
0x16: {  	s3 =	sld [smem:$0x3FDB];
	s0 =	simm.s32 @p2 $0x1  }
0x17: {  	s4 =	simm.s32 $0x1BF5;
	[smem:$0x3FBA] =	sst s0  }
0x18: {  	s0 =	sld [smem:$0x3F9D];
	_ =	swait.ge [sflag:s4], $0x0  }
0x19: {  	s7 =	sld [smem:$0x3F9E]  }
0x1a: {  	s8 =	sadd.s32 $0xFFFFE003, lr  }
0x1b: {  	s9 =	sadd.s32 $0xFFFFFEF7, lr;
	s5 =	simm.s32 $0xFFFFFFFF;
	p2 =	slt.u32 s8, $0xFFFFF086  }
0x1c: {  	p1 =	slt.u32 s9, $0xF7A;
	s5 =	simm.s32 @!p2 $0x0  }
0x1d: {  	s5 =	simm.s32 @p1 $0x1;
	p0 =	seq.s32 s7, s2  }
0x1e: {  	s7 =	smul.u32 @!p0 $0xF7A, s2;
	p2 =	seq.s32 @!p0 s5, $0x0  }
0x1f: {  	s9 =	smul.u32 $0xF7A, s1;
	s8 =	simm.s32 @!p0 $0x1BF5;
	p2 =	por !p2, p0  }
0x20: {  	[sflag:s8] =	ssyncset.s32 @!p0 $0xFFFFF086;
	s6 =	sadd.s32 @!p0 s3, s7;
	s7 =	simm.s32 @!p0 $0x108  }
0x21: {  	s3 =	sadd.s32 s3, s9;
	s6 =	sadd.s32 @!p0 $0x88, s6;
	s7 =	simm.s32 @p2 $0x1082  }
0x22: {  	[simem:s7], [sflag:s8] =	dma.local @!p0 [hbm:s6], $0xF7A  }
0x23: {  	s9 =	sor.u32 $0xD0000000, s2;
	s6 =	simm.s32 $0x108;
	_ =	swait.ge @!p0 [sflag:s8], $0x0  }
0x24: {  	s3 =	sadd.s32 $0x88, s3;
	s6 =	simm.s32 @!p1 $0x1082;
	[sflag:s4] =	ssyncset.s32 $0xFFFFF086  }
0x25: {  	[simem:s6], [sflag:s4] =	dma.local [hbm:s3], $0xF7A  }
0x26: {  	[smem:$0x3F9E] =	sst s1;
	(tag) =	ssettag s2;
	_ =	strace s9  }
0x27: {  	s1 =	sld [smem:$0x3FAE]  }
0x28: {  	s2 =	sld [smem:$0x3FAF]  }
0x29: {  	s4 =	sld [smem:$0x3FB1]  }
0x2a: {  	p0 =	seq.s32 s5, $0x0;
	s5 =	sld [smem:$0x3FB2]  }
0x2b: {  	s6 =	sld [smem:$0x3FB3]  }
0x2c: {  	s7 =	sld [smem:$0x3FB4]  }
0x2d: {  	s3 =	simm.s32 $0x108;
	s8 =	sld [smem:$0x3FB5]  }
0x2e: {  	s3 =	simm.s32 @!p0 $0x1082;
	s9 =	sld [smem:$0x3FB6]  }
0x2f: {  	lr =	sadd.s32 s0, s3;
	s0 =	sld [smem:$0x3FAD]  }
0x30: {  	s3 =	sld [smem:$0x3FB0]  }
0x31: {  	[smem:$0x3FB9] =	sst s10  }
0x32: {  	s10 =	sld [smem:$0x3FB7];
	_ =	sdelay $0x3  }
0x33: {  	p0 =	seq.s32 s10, $0x1;
	s10 =	sld [smem:$0x3FB9];
	_ =	sdelay $0x3  }
0x34: {  	[smem:$0x3FB9] =	sst s10  }
0x35: {  	s10 =	sld [smem:$0x3FB8];
	_ =	sdelay $0x3  }
0x36: {  	p1 =	seq.s32 s10, $0x1;
	s10 =	sld [smem:$0x3FB9];
	_ =	sdelay $0x3  }
0x37: {  	[smem:$0x3FB9] =	sst s10  }
0x38: {  	s10 =	sld [smem:$0x3FBA]  }
0x39: {  	_ = 	snop;
	(pc) =	sbr.ind lr, $3  }
0x3a: {  	_ = 	snop  }
0x3b: {  	_ = 	snop  }
0x3c: {  	p2 =	seq.s32 s10, $0x1;
	s10 =	sld [smem:$0x3FB9]  }
0x3d: {  	_ =	shalt  }
0x3e: {  	_ =	shalt  }
0x3f: {  	_ =	shalt  }
0x40: {  	_ =	shalt  }
0x41: {  	_ =	shalt  }
0x42: {  	_ =	shalt  }
0x43: {  	_ =	shalt  }
0x44: {  	_ =	shalt  }
0x45: {  	_ =	shalt  }
0x46: {  	_ =	shalt  }
0x47: {  	_ =	shalt  }
0x48: {  	_ =	shalt  }
0x49: {  	_ =	shalt  }
0x4a: {  	_ =	shalt  }
0x4b: {  	_ =	shalt  }
0x4c: {  	_ =	shalt  }
0x4d: {  	_ =	shalt  }
0x4e: {  	_ =	shalt  }
0x4f: {  	_ =	shalt  }
0x50: {  	_ =	shalt  }
0x51: {  	_ =	shalt  }
0x52: {  	_ =	shalt  }
0x53: {  	_ =	shalt  }
0x54: {  	_ =	shalt  }
0x55: {  	_ =	shalt  }
0x56: {  	_ =	shalt  }
0x57: {  	_ =	shalt  }
0x58: {  	_ =	shalt  }
0x59: {  	_ =	shalt  }
0x5a: {  	_ =	shalt  }
0x5b: {  	_ =	shalt  }
0x5c: {  	_ =	shalt  }
0x5d: {  	_ =	shalt  }
0x5e: {  	_ =	shalt  }
0x5f: {  	_ =	shalt  }
0x60: {  	_ =	shalt  }
0x61: {  	_ =	shalt  }
0x62: {  	_ =	shalt  }
0x63: {  	_ =	shalt  }
0x64: {  	_ =	shalt  }
0x65: {  	_ =	shalt  }
0x66: {  	_ =	shalt  }
0x67: {  	_ =	shalt  }
0x68: {  	_ =	shalt  }
0x69: {  	_ =	shalt  }
0x6a: {  	_ =	shalt  }
0x6b: {  	_ =	shalt  }
0x6c: {  	_ =	shalt  }
0x6d: {  	_ =	shalt  }
0x6e: {  	_ =	shalt  }
0x6f: {  	_ =	shalt  }
0x70: {  	_ =	shalt  }
0x71: {  	_ =	shalt  }
0x72: {  	_ =	shalt  }
0x73: {  	_ =	shalt  }
0x74: {  	_ =	shalt  }
0x75: {  	_ =	shalt  }
0x76: {  	_ =	shalt  }
0x77: {  	_ =	shalt  }
0x78: {  	_ =	shalt  }
0x79: {  	_ =	shalt  }
0x7a: {  	_ =	shalt  }
0x7b: {  	_ =	shalt  }
0x7c: {  	_ =	shalt  }
0x7d: {  	_ =	shalt  }
0x7e: {  	_ =	shalt  }
0x7f: {  	_ =	shalt  }
0x80: {  	_ =	shalt  }
0x81: {  	_ =	shalt  }
0x82: {  	_ =	shalt  }
0x83: {  	_ =	shalt  }
0x84: {  	_ =	shalt  }
0x85: {  	_ =	shalt  }
0x86: {  	_ =	shalt  }
0x87: {  	_ =	shalt  }
.Lfunc_end0:
.L_simem_size_0:
called_computation_lowered:
.L_overlay_start_0:
0x88: {  	s0 =	sld [smem:$0x3FD9]  }
0x89: {  	s1 =	sld [smem:$0x3FFE];
	_ =	sdelay $0x3  }
0x8a: {  	s0 =	sadd.s32 s1, s0  }
0x8b: {  	[smem:$0x3FC5] =	sst s0  }
0x8c: {  	_ = 	snop  }
0x8d: {  	s0 =	sld [smem:$0x3FD0];
	_ =	sdelay $0x2  }
0x8e: {  	s13 =	simm.s32 $0xA;
	s2 =	simm.s32 $0x10  }
0x8f: {  	[smem:s2], [sflag:s13] =	dma.local [hbm:s0], $0x1  }
0x90: {  	_ =	swait.eq [sflag:s13], $0x1  }
0x91: {  	[sflag:s13] =	ssyncset.done $0x0  }
0x92: {  	[sflag:s13] =	ssyncadd.s32 $0xFFFFFFFF  }
0x93: {  	s14 =	sld [smem:$0x11];
	(tm) =	ssettm $0x1  }
0x94: {  	s15 =	sld [smem:$0x3FFB];
	_ =	sdelay $0x3  }
0x95: {  	_ =	strace s15  }
0x96: {  	s1 =	sld [smem:$0x3FFC];
	_ =	sdelay $0x3  }
0x97: {  	_ =	strace s1  }
0x98: {  	s1 =	sld [smem:$0x3FFD];
	_ =	sdelay $0x3  }
0x99: {  	_ =	strace s1  }
0x9a: {  	_ =	strace $0x8FFFFFFF  }
0x9b: {  	s16 =	sld [smem:$0x3FDB];
	_ =	sdelay $0x1  }
0x9c: {  	s17 =	simm.s32 $_scs_section_size  }
0x9d: {  	s3 =	simm.s32 $_size__tile_overlayer_lowered;
	s4 =	simm.s32 $_tile_overlayer_lowered  }
0x9e: {  	s20 =	simm.s32 $0x1BFF;
	s19 =	sshll.u32 s4, $0x1;
	s1 =	sadd.s32 s17, s16  }
0x9f: {  	s5 =	simm.s32 $0x0;
	s18 =	sshll.u32 s3, $0x1;
	s3 =	sadd.s32 s19, s1  }
0xa0: {  	[timem:s5], [sflag:s20] =	dma.local [hbm:s3], s18  }
0xa1: {  	_ =	swait.ge [sflag:s20], s18  }
0xa2: {  	s2 =	ssub.s32 $0x0, s18;
	[sflag:s20] =	ssyncset.done $0x0  }
0xa3: {  	[sflag:s20] =	ssyncadd.s32 s2;
	_ =	sdelay $0x1  }
0xa4: {  	s21 =	simm.s32 $0x1B8B  }
0xa5: {  	_ =	swait.ge [sflag:s21], $0x1  }
0xa6: {  	[sflag:s21] =	ssyncset.done $0x0  }
0xa7: {  	s23 =	simm.s32 $0x1B8E;
	s22 =	sld [smem:$0x3FFE];
	[sflag:s21] =	ssyncadd.s32 $0xFFFFFFFF  }
0xa8: {  	s24 =	simm.s32 $execute0_lowered;
	[smem:$0x3FD2] =	sst s23  }
0xa9: {  	s3 =	sshll.u32 s24, $0x1;
	_ =	strace $0x80000046;
	[dreg:$0x1] =	wrdreg $0xFFFFFFFF  }
0xaa: {  	s25 =	simm.s32 $_size_execute0_lowered;
	s1 =	sadd.s32 s1, s3;
	[dreg:$0x0] =	wrdreg $0x0  }
0xab: {  	s3 =	sshll.u32 s25, $0x1;
	[dreg:$0x2] =	wrdreg s1  }
0xac: {  	[dreg:$0x3] =	wrdreg s3  }
0xad: {  	[dreg:$0x4] =	wrdreg $0xC0  }
0xae: {  	_ =	task [dreg:s5], $0x5FFFF  }
0xaf: {  	[dreg:$0x1] =	wrdreg $0xFFFFFFFF  }
0xb0: {  	[dreg:$0x0] =	wrdreg $0x60  }
0xb1: {  	[dreg:$0x2] =	wrdreg s22  }
0xb2: {  	[dreg:$0x3] =	wrdreg s14  }
0xb3: {  	[dreg:$0x4] =	wrdreg $0x9  }
0xb4: {  	_ =	task.clear_ibuf [dreg:s5], $0x5FFFF;
	_ =	strace $0x90000046  }
0xb5: {  	s26 =	simm.s32 $0x9;
	_ =	strace $0x80000048  }
0xb6: {  	_ =	swait.ge [sflag:s26], $0x1  }
0xb7: {  	[sflag:s26] =	ssyncadd.s32 $0xFFFFFFFF  }
0xb8: {  	_ =	strace $0x90000048  }
0xb9: {  	_ =	sfence  }
0xba: {  	s28 =	sld [smem:$0x0];
	_ =	sdelay $0x1  }
0xbb: {  	s29 =	srdreg.scid  }
0xbc: {  	s30 =	sshll.u32 s29, $0xD;
	s31 =	sshrl.u32 s29, $0x2  }
0xbd: {  	s2 =	sand.u32 $0x4000, s30;
	s1 =	sand.u32 $0x1, s29;
	s0 =	sadd.s32 s31, s28  }
0xbe: {  	s1 =	sor.u32 s2, s1;
	s0 =	sshll.u32 s0, $0x11  }
0xbf: {  	s0 =	sor.u32 s0, s1  }
0xc0: {  	s0 =	sadd.s32 $0x8F2B, s0  }
0xc1: {  	[sflag:s0] =	ssyncadd.remote.s32 $0x1  }
0xc2: {  	_ =	sfence.sel $0xFFFF  }
0xc3: {  	[dreg:$0x0] =	wrdreg $0xFFFFFFFF;
	(pc) =	sbr.abs _section_cstart, $3  }
0xc4: {  	[dreg:$0x1] =	wrdreg $0xFFFFFFFF  }
0xc5: {  	_ =	task.clear_ibuf [dreg:s5], $0x2FFFF;
	_ =	strace $0x9FFFFFFF  }
0xc6: {  	(tm) =	ssettm $0x7FFFFFFF  }
0xc7: {  	_ =	shalt  }
tec
execute0_lowered:
.L_overlay_start_1:
0x0: {  	(tag) =	ssettag $0x1  }
0x1: {  	s1 =	rddreg [dreg:$0x0]  }
0x2: {  	s2 =	rddreg [dreg:$0x1]  }
0x3: {  	s0 =	rddreg [dreg:$0x2];
	s3 =	simm.s32 $0x0  }
0x4: {  	s4 =	simm.s32 $0x80;
	[smem:$0x7FF] =	sst s3  }
0x5: {  	s29 =	stileid.u32;
	s5 =	simm.s32 $0x1;
	_ =	strace $0x80000047  }
0x6: {  	[tilespmem:s4], [sflag:$0x1] =	stream.linear.gather [hbm4b:s2+s3], $0x800, $0x38;
	[tilespmem:$0x900] =	vst v63  }
0x7: {  	s6 =	sshll.u32 s29, $0x3;
	_ =	swait.ge [sflag:s5], $0x800  }
0x8: {  	s6 =	sadd.s32 s6, s1;
	[sflag:s5] =	ssyncset.done $0x0  }
0x9: {  	s6 =	sadd.s32 $0xC00, s6;
	[sflag:s5] =	ssyncadd.s32 $0xFFFFF800  }
0xa: {  	[tilespmem:s3], [sflag:$0x1] =	stream.linear.gather [hbm4b:s6+s3], $0x40, $0x38;
	[tilespmem:$0x900] =	vst v63  }
0xb: {  	_ =	swait.ge [sflag:s5], $0x40  }
0xc: {  	[sflag:s5] =	ssyncset.done $0x0  }
0xd: {  	[sflag:s5] =	ssyncadd.s32 $0xFFFFFFC0  }
0xe: {  	v0 =	vld [tilespmem:$0x0];
	_ =	sdelay $0x4  }
0xf: {  	v0 =	vshll.u32 v0, $0x1;
	_ =	sdelay $0x2  }
0x10: {  	v1 =	vlaneseq.u32  }
0x11: {  	v1 =	vmul.u32 $0x2, v1  }
0x12: {  	v2 =	vld.idx.msk [tilespmem:v0+s4+$0x0], $0xffff  }
0x13: {  	v0 =	vor.u32 $0x1, v0;
	_ =	sdelay $0x2  }
0x14: {  	s30 =	simm.s32 $0x880  }
0x15: {  	[tilespmem:v1+s30+$0x0] =	vst.idx.msk $0xffff, v2  }
0x16: {  	v59 =	vor.u32 $0x1, v1;
	v0 =	vld.idx.msk [tilespmem:v0+s4+$0x0], $0xffff;
	_ =	sdelay $0x4  }
0x17: {  	[tilespmem:v59+s30+$0x0] =	vst.idx.msk $0xffff, v0  }
0x18: {  	v0 =	vld [tilespmem:$0x10];
	_ =	sdelay $0x4  }
0x19: {  	v0 =	vshll.u32 v0, $0x1;
	_ =	sdelay $0x4  }
0x1a: {  	v3 =	vor.u32 $0x20, v1;
	v2 =	vld.idx.msk [tilespmem:v0+s4+$0x0], $0xffff  }
0x1b: {  	v0 =	vor.u32 $0x1, v0;
	_ =	sdelay $0x3  }
0x1c: {  	[tilespmem:v3+s30+$0x0] =	vst.idx.msk $0xffff, v2  }
0x1d: {  	v60 =	vor.u32 $0x21, v1;
	v0 =	vld.idx.msk [tilespmem:v0+s4+$0x0], $0xffff;
	_ =	sdelay $0x4  }
0x1e: {  	[tilespmem:v60+s30+$0x0] =	vst.idx.msk $0xffff, v0  }
0x1f: {  	v0 =	vld [tilespmem:$0x20];
	_ =	sdelay $0x4  }
0x20: {  	v0 =	vshll.u32 v0, $0x1;
	_ =	sdelay $0x4  }
0x21: {  	v61 =	vor.u32 $0x40, v1;
	v2 =	vld.idx.msk [tilespmem:v0+s4+$0x0], $0xffff  }
0x22: {  	v0 =	vor.u32 $0x1, v0;
	_ =	sdelay $0x3  }
0x23: {  	[tilespmem:v61+s30+$0x0] =	vst.idx.msk $0xffff, v2  }
0x24: {  	v62 =	vor.u32 $0x41, v1;
	v0 =	vld.idx.msk [tilespmem:v0+s4+$0x0], $0xffff;
	_ =	sdelay $0x4  }
0x25: {  	[tilespmem:v62+s30+$0x0] =	vst.idx.msk $0xffff, v0  }
0x26: {  	v0 =	vld [tilespmem:$0x30];
	_ =	sdelay $0x4  }
0x27: {  	v0 =	vshll.u32 v0, $0x1;
	_ =	sdelay $0x4  }
0x28: {  	v63 =	vor.u32 $0x60, v1;
	v2 =	vld.idx.msk [tilespmem:v0+s4+$0x0], $0xffff  }
0x29: {  	v0 =	vor.u32 $0x1, v0;
	_ =	sdelay $0x3  }
0x2a: {  	[tilespmem:v63+s30+$0x0] =	vst.idx.msk $0xffff, v2  }
0x2b: {  	v1 =	vor.u32 $0x61, v1;
	v0 =	vld.idx.msk [tilespmem:v0+s4+$0x0], $0xffff;
	_ =	sdelay $0x2  }
0x2c: {  	s31 =	sshll.u32 s29, $0x4  }
0x2d: {  	s1 =	sadd.s32 s31, s1  }
0x2e: {  	s1 =	sadd.s32 $0xE00, s1;
	[tilespmem:v1+s30+$0x0] =	vst.idx.msk $0xffff, v0  }
0x2f: {  	[hbm4b:s1+s3] =	stream.linear.scatter [tilespmem:s30], [sflag:$0x1], $0x80, $0x38;
	[tilespmem:$0x900] =	vst v63  }
0x30: {  	_ =	swait.ge [sflag:s5], $0x80  }
0x31: {  	[sflag:s5] =	ssyncset.done $0x0  }
0x32: {  	[sflag:s5] =	ssyncadd.s32 $0xFFFFFF80  }
0x33: {  	_ =	sfence.sel $0x180000  }
0x34: {  	[bflag:$0x0] =	sbarrier.arrive $0xFFFF  }
0x35: {  	p0 =	sne.s32 s29, $0x0;
	_ =	strace $0x90000047  }
0x36: {  	s0 =	sadd.s32 @!p0 $0x100000, s0;
	[bflag:$0x2] =	sbarrier.arrive $0xFFFF  }
0x37: {  	[sflag:s0] =	ssyncadd.tile.s32 @!p0 $0x1;
	_ =	shalt  }
.Lfunc_end2:
_tile_overlayer_lowered:
.L_overlay_start_2:
0x38: {  	(tag) =	ssettag $0x2  }
0x39: {  	s0 =	rddreg [dreg:$0x0];
	s2 =	stileid.u32  }
0x3a: {  	s1 =	rddreg [dreg:$0x1];
	p0 =	sne.s32 s2, $0x0  }
0x3b: {  	s3 =	rddreg [dreg:$0x2];
	[bflag:$0x3] =	sbarrier.arrive $0xFFFF;
	s2 =	simm.s32 @!p0 $0x1C01  }
0x3c: {  	[timem:s3], [sflag:s2] =	dma.local @!p0 [hbm:s0], s1  }
0x3d: {  	s0 =	simm.s32 @!p0 $0x1  }
0x3e: {  	_ =	swait.ge @!p0 [sflag:s0], s1  }
0x3f: {  	s1 =	ssub.s32 @!p0 $0x0, s1;
	[sflag:s0] =	ssyncset.done @!p0 $0x0  }
0x40: {  	[sflag:s0] =	ssyncadd.s32 @!p0 s1  }
0x41: {  	[bflag:$0x3] =	sbarrier.arrive $0xFFFF  }
0x42: {  	_ =	shalt  }

</sc_bundles>
